<compile_context>
chip_gen: v7x
topology: tpu7x:2x2x1
jax: 0.10.2.dev20260603
libtpu: 0.0.44.dev20260713+nightly
codegen_flags: <defaults>
</compile_context>

<pallas_src>
import jax
import jax.numpy as jnp
from jax import lax
from jax.experimental import pallas as pl
from jax.experimental.pallas import tpu as pltpu
from jax.experimental.pallas import tpu_sc as plsc

_B = 16384
_F = 26
_FIELD = 100000
_NC = 2
_NS = 16
_NW = _NC * _NS
_BPW = _B // _NW
_IPW = _F * _BPW
_L = 16
_JW = _BPW // _L


def _fm_body(xr, table, out, xt_v, rows_v, acc_v, s0):
    wid = lax.axis_index("s") * _NC + lax.axis_index("c")
    table1d = table.at[0]

    pltpu.sync_copy(xr.at[wid], xt_v)

    def fire(f, _):
        pltpu.async_copy(
            table1d.at[pl.ds(f * _FIELD, _FIELD)].at[
                xt_v.at[pl.ds(f * _BPW, _BPW)]
            ],
            rows_v.at[pl.ds(f * _BPW, _BPW)],
            s0,
        )
        return 0

    lax.fori_loop(0, _F, fire, 0)

    pltpu.make_async_copy(table1d.at[pl.ds(0, _IPW)], rows_v, s0).wait()

    def red(j, _):
        a0 = rows_v[pl.ds(j * _L, _L)]
        a1 = rows_v[pl.ds(_BPW + j * _L, _L)]
        for f in range(2, _F, 2):
            a0 = a0 + rows_v[pl.ds(f * _BPW + j * _L, _L)]
        for f in range(3, _F, 2):
            a1 = a1 + rows_v[pl.ds(f * _BPW + j * _L, _L)]
        acc_v[pl.ds(j * _L, _L)] = a0 + a1
        return 0

    lax.fori_loop(0, _JW, red, 0)

    pltpu.sync_copy(acc_v, out.at[pl.ds(wid * _BPW, _BPW)])


@jax.jit
def _fm(xr, table2d):
    mesh = plsc.VectorSubcoreMesh(
        core_axis_name="c", subcore_axis_name="s", num_cores=_NC
    )
    return pl.kernel(
        _fm_body,
        mesh=mesh,
        out_type=jax.ShapeDtypeStruct((_B,), jnp.float32),
        scratch_types=[
            pltpu.VMEM((_IPW,), jnp.int32),
            pltpu.VMEM((_IPW,), jnp.float32),
            pltpu.VMEM((_BPW,), jnp.float32),
            pltpu.SemaphoreType.DMA,
        ],
    )(xr, table2d)


def kernel(x, table):
    xprep = jnp.transpose(x.reshape(_NW, _BPW, _F), (0, 2, 1)).reshape(_NW, _IPW)
    out = _fm(xprep, table.reshape(1, _F * _FIELD))
    return out.reshape(_B, 1)

# --- scband reference (transcript-rebuilt; emitter-appended) ---
"""Pipeline reference for scband-fmlinear-12549894439302 (READ-ONLY COPY).

The authoritative reference and input builder live on the scoring server;
editing this copy changes nothing except your own understanding.
"""

import jax, jax.numpy as jnp
import numpy as np

FIELD_DIMS = [100000] * 26
BATCH = 16384
NUM_FIELDS = 26
TOTAL_ROWS = sum(FIELD_DIMS)


def setup_inputs(seed: int = 0) -> dict:
    key = jax.random.key(seed)
    k1, k2 = jax.random.split(key)
    x = jax.random.randint(k1, (BATCH, NUM_FIELDS), 0, 100000, dtype=jnp.int32)
    table = jax.random.normal(k2, (TOTAL_ROWS, 1), dtype=jnp.float32) * 0.01
    return {"x": x, "table": table}


def reference(x, table):
    offsets = jnp.asarray(
        np.array((0, *np.cumsum(FIELD_DIMS)[:-1]), dtype=np.int32)
    )
    idx = x + offsets[None, :]
    emb = jnp.take(table, idx, axis=0)  # [B, num_fields, 1]
    return jnp.sum(emb, axis=1)  # [B, 1]

if __name__ == "__main__":
    import jax
    _d = setup_inputs()
    print(jax.jit(kernel)(*tuple(_d.values())))

</pallas_src>

<mosaic_0001>
#map = affine_map<(d0, d1) -> (0, 0)>
#map1 = affine_map<(d0, d1) -> (0)>
module attributes {stable_mosaic.version = 14 : i64} {
  func.func @_fm_body(%arg0: i32, %arg1: i32, %arg2: memref<32x13312xi32, #tpu.memory_space<hbm>>, %arg3: memref<1x2600000xf32, #tpu.memory_space<hbm>>, %arg4: memref<16384xf32, #tpu.memory_space<hbm>>, %arg5: memref<13312xi32, #tpu.memory_space<vmem>>, %arg6: memref<13312xf32, #tpu.memory_space<vmem>>, %arg7: memref<512xf32, #tpu.memory_space<vmem>>, %arg8: memref<!tpu.dma_semaphore, #tpu.memory_space<semaphore_mem>>) attributes {dimension_semantics = [#tpu.dimension_semantics<core_parallel>, #tpu.dimension_semantics<subcore_parallel>], iteration_bounds = array<i64: 2, 16>, scalar_prefetch = 0 : i64, scratch_operands = 4 : i64, tpu.core_type = #tpu.core_type<sc_vector_subcore>, window_params = [{transform_indices = #map}, {transform_indices = #map}, {transform_indices = #map1}]} {
    %mul3A = arith.constant 2 : i32
    %mul3A_0 = arith.muli %arg1, %mul3A : i32
    %add3A = arith.addi %mul3A_0, %arg0 : i32
    "tpu.region"() ({
      %run_scoped3A = tpu.sem_alloc : memref<!tpu.dma_semaphore, #tpu.memory_space<semaphore_mem>>
      %dma_start3A = arith.constant 0 : i32
      %dma_start3A_27 = tpu.memref_slice %arg2[%add3A, %dma_start3A] : memref<32x13312xi32, #tpu.memory_space<hbm>> -> memref<1x13312xi32, #tpu.memory_space<hbm>>
      %dma_start3A_28 = tpu.memref_squeeze %dma_start3A_27 : memref<1x13312xi32, #tpu.memory_space<hbm>> -> memref<13312xi32, #tpu.memory_space<hbm>>
      %dma_start3A_29 = arith.constant 0 : i32
      %dma_start3A_30 = tpu.memref_slice %arg2[%add3A, %dma_start3A_29] : memref<32x13312xi32, #tpu.memory_space<hbm>> -> memref<1x13312xi32, #tpu.memory_space<hbm>>
      %dma_start3A_31 = tpu.memref_squeeze %dma_start3A_30 : memref<1x13312xi32, #tpu.memory_space<hbm>> -> memref<13312xi32, #tpu.memory_space<hbm>>
      tpu.enqueue_dma source(%dma_start3A_31 : memref<13312xi32, #tpu.memory_space<hbm>>) target(%arg5 : memref<13312xi32, #tpu.memory_space<vmem>>) target_semaphore(%run_scoped3A : memref<!tpu.dma_semaphore, #tpu.memory_space<semaphore_mem>>)
      %dma_wait3A_32 = arith.constant 0 : i32
      %dma_wait3A_33 = tpu.memref_slice %arg2[%add3A, %dma_wait3A_32] : memref<32x13312xi32, #tpu.memory_space<hbm>> -> memref<1x13312xi32, #tpu.memory_space<hbm>>
      %dma_wait3A_34 = tpu.memref_squeeze %dma_wait3A_33 : memref<1x13312xi32, #tpu.memory_space<hbm>> -> memref<13312xi32, #tpu.memory_space<hbm>>
      %dma_wait3A_35 = arith.constant 0 : i32
      %dma_wait3A_36 = tpu.memref_slice %arg2[%add3A, %dma_wait3A_35] : memref<32x13312xi32, #tpu.memory_space<hbm>> -> memref<1x13312xi32, #tpu.memory_space<hbm>>
      %dma_wait3A_37 = tpu.memref_squeeze %dma_wait3A_36 : memref<1x13312xi32, #tpu.memory_space<hbm>> -> memref<13312xi32, #tpu.memory_space<hbm>>
      tpu.wait_dma2 semaphore(%run_scoped3A : memref<!tpu.dma_semaphore, #tpu.memory_space<semaphore_mem>>) src(%dma_wait3A_37 : memref<13312xi32, #tpu.memory_space<hbm>>) dst(%arg5 : memref<13312xi32, #tpu.memory_space<vmem>>)
      tpu.yield
    }) : () -> ()
    %scan3A = arith.constant 0 : i32
    %scan3A_1 = arith.constant 0 : i32
    %scan3A_2 = arith.constant 0 : i32
    %scan3A_3 = arith.constant 26 : i32
    %scan3A_4 = arith.addi %scan3A_2, %scan3A_3 : i32
    %scan3A_5 = arith.constant 1 : i32
    %scan3A_6 = scf.for %scan3A_27 = %scan3A_2 to %scan3A_4 step %scan3A_5 iter_args(%scan3A_28 = %scan3A_1) -> (i32)  : i32 {
      %mul3A_29 = arith.constant 100000 : i32
      %mul3A_30 = arith.muli %scan3A_27, %mul3A_29 : i32
      %mul3A_31 = arith.constant 512 : i32
      %mul3A_32 = arith.muli %scan3A_27, %mul3A_31 : i32
      %mul3A_33 = arith.constant 512 : i32
      %mul3A_34 = arith.muli %scan3A_27, %mul3A_33 : i32
      %dma_start3A = tpu.memref_slice %arg6[%mul3A_34] : memref<13312xf32, #tpu.memory_space<vmem>> -> memref<512xf32, #tpu.memory_space<vmem>>
      %dma_start3A_35 = tpu.memref_slice %arg5[%mul3A_32] : memref<13312xi32, #tpu.memory_space<vmem>> -> memref<512xi32, #tpu.memory_space<vmem>>
      %dma_start3A_36 = arith.constant 0 : i32
      %dma_start3A_37 = tpu.memref_slice %arg3[%scan3A, %dma_start3A_36] : memref<1x2600000xf32, #tpu.memory_space<hbm>> -> memref<1x2600000xf32, #tpu.memory_space<hbm>>
      %dma_start3A_38 = tpu.memref_squeeze %dma_start3A_37 : memref<1x2600000xf32, #tpu.memory_space<hbm>> -> memref<2600000xf32, #tpu.memory_space<hbm>>
      %dma_start3A_39 = tpu.memref_slice %dma_start3A_38[%mul3A_30] : memref<2600000xf32, #tpu.memory_space<hbm>> -> memref<100000xf32, #tpu.memory_space<hbm>>
      %dma_start3A_40 = arith.constant 0 : i32
      %dma_start3A_41 = tpu.memref_slice %dma_start3A_39[%dma_start3A_40] : memref<100000xf32, #tpu.memory_space<hbm>> -> memref<100000xf32, #tpu.memory_space<hbm>>
      tpu.enqueue_indirect_dma source(%dma_start3A_41 : memref<100000xf32, #tpu.memory_space<hbm>>) target(%dma_start3A : memref<512xf32, #tpu.memory_space<vmem>>) offsets(%dma_start3A_35 : memref<512xi32, #tpu.memory_space<vmem>>) semaphore(%arg8 : memref<!tpu.dma_semaphore, #tpu.memory_space<semaphore_mem>>)
      %scan3A_42 = arith.constant 0 : i32
      scf.yield %scan3A_42 : i32
    }
    %scan3A_7 = arith.constant 26 : i32
    %dma_wait3A = arith.constant 0 : i32
    %dma_wait3A_8 = arith.constant 0 : i32
    %dma_wait3A_9 = tpu.memref_slice %arg3[%dma_wait3A, %dma_wait3A_8] : memref<1x2600000xf32, #tpu.memory_space<hbm>> -> memref<1x2600000xf32, #tpu.memory_space<hbm>>
    %dma_wait3A_10 = tpu.memref_squeeze %dma_wait3A_9 : memref<1x2600000xf32, #tpu.memory_space<hbm>> -> memref<2600000xf32, #tpu.memory_space<hbm>>
    %dma_wait3A_11 = arith.constant 0 : i32
    %dma_wait3A_12 = tpu.memref_slice %dma_wait3A_10[%dma_wait3A_11] : memref<2600000xf32, #tpu.memory_space<hbm>> -> memref<13312xf32, #tpu.memory_space<hbm>>
    %dma_wait3A_13 = arith.constant 0 : i32
    %dma_wait3A_14 = tpu.memref_slice %arg3[%dma_wait3A, %dma_wait3A_13] : memref<1x2600000xf32, #tpu.memory_space<hbm>> -> memref<1x2600000xf32, #tpu.memory_space<hbm>>
    %dma_wait3A_15 = tpu.memref_squeeze %dma_wait3A_14 : memref<1x2600000xf32, #tpu.memory_space<hbm>> -> memref<2600000xf32, #tpu.memory_space<hbm>>
    %dma_wait3A_16 = arith.constant 0 : i32
    %dma_wait3A_17 = tpu.memref_slice %dma_wait3A_15[%dma_wait3A_16] : memref<2600000xf32, #tpu.memory_space<hbm>> -> memref<13312xf32, #tpu.memory_space<hbm>>
    tpu.wait_dma2 semaphore(%arg8 : memref<!tpu.dma_semaphore, #tpu.memory_space<semaphore_mem>>) src(%dma_wait3A_17 : memref<13312xf32, #tpu.memory_space<hbm>>) dst(%arg6 : memref<13312xf32, #tpu.memory_space<vmem>>)
    %scan3A_18 = arith.constant 0 : i32
    %scan3A_19 = arith.constant 0 : i32
    %scan3A_20 = arith.constant 32 : i32
    %scan3A_21 = arith.addi %scan3A_19, %scan3A_20 : i32
    %scan3A_22 = arith.constant 1 : i32
    %scan3A_23 = scf.for %scan3A_27 = %scan3A_19 to %scan3A_21 step %scan3A_22 iter_args(%scan3A_28 = %scan3A_18) -> (i32)  : i32 {
      %mul3A_29 = arith.constant 16 : i32
      %mul3A_30 = arith.muli %scan3A_27, %mul3A_29 : i32
      %get3A = arith.index_cast %mul3A_30 : i32 to index
      %get3A_31 = tpu.vector_load %arg6[%get3A] {strides = array<i32>} : memref<13312xf32, #tpu.memory_space<vmem>>, vector<16xf32>,
      %get3A_32 = vector.shape_cast %get3A_31 : vector<16xf32> to vector<16xf32>
      %mul3A_33 = arith.constant 16 : i32
      %mul3A_34 = arith.muli %scan3A_27, %mul3A_33 : i32
      %add3A_35 = arith.constant 512 : i32
      %add3A_36 = arith.addi %add3A_35, %mul3A_34 : i32
      %get3A_37 = arith.index_cast %add3A_36 : i32 to index
      %get3A_38 = tpu.vector_load %arg6[%get3A_37] {strides = array<i32>} : memref<13312xf32, #tpu.memory_space<vmem>>, vector<16xf32>,
      %get3A_39 = vector.shape_cast %get3A_38 : vector<16xf32> to vector<16xf32>
      %mul3A_40 = arith.constant 16 : i32
      %mul3A_41 = arith.muli %scan3A_27, %mul3A_40 : i32
      %add3A_42 = arith.constant 1024 : i32
      %add3A_43 = arith.addi %add3A_42, %mul3A_41 : i32
      %get3A_44 = arith.index_cast %add3A_43 : i32 to index
      %get3A_45 = tpu.vector_load %arg6[%get3A_44] {strides = array<i32>} : memref<13312xf32, #tpu.memory_space<vmem>>, vector<16xf32>,
      %get3A_46 = vector.shape_cast %get3A_45 : vector<16xf32> to vector<16xf32>
      %add3A_47 = arith.addf %get3A_32, %get3A_46 : vector<16xf32>
      %mul3A_48 = arith.constant 16 : i32
      %mul3A_49 = arith.muli %scan3A_27, %mul3A_48 : i32
      %add3A_50 = arith.constant 2048 : i32
      %add3A_51 = arith.addi %add3A_50, %mul3A_49 : i32
      %get3A_52 = arith.index_cast %add3A_51 : i32 to index
      %get3A_53 = tpu.vector_load %arg6[%get3A_52] {strides = array<i32>} : memref<13312xf32, #tpu.memory_space<vmem>>, vector<16xf32>,
      %get3A_54 = vector.shape_cast %get3A_53 : vector<16xf32> to vector<16xf32>
      %add3A_55 = arith.addf %add3A_47, %get3A_54 : vector<16xf32>
      %mul3A_56 = arith.constant 16 : i32
      %mul3A_57 = arith.muli %scan3A_27, %mul3A_56 : i32
      %add3A_58 = arith.constant 3072 : i32
      %add3A_59 = arith.addi %add3A_58, %mul3A_57 : i32
      %get3A_60 = arith.index_cast %add3A_59 : i32 to index
      %get3A_61 = tpu.vector_load %arg6[%get3A_60] {strides = array<i32>} : memref<13312xf32, #tpu.memory_space<vmem>>, vector<16xf32>,
      %get3A_62 = vector.shape_cast %get3A_61 : vector<16xf32> to vector<16xf32>
      %add3A_63 = arith.addf %add3A_55, %get3A_62 : vector<16xf32>
      %mul3A_64 = arith.constant 16 : i32
      %mul3A_65 = arith.muli %scan3A_27, %mul3A_64 : i32
      %add3A_66 = arith.constant 4096 : i32
      %add3A_67 = arith.addi %add3A_66, %mul3A_65 : i32
      %get3A_68 = arith.index_cast %add3A_67 : i32 to index
      %get3A_69 = tpu.vector_load %arg6[%get3A_68] {strides = array<i32>} : memref<13312xf32, #tpu.memory_space<vmem>>, vector<16xf32>,
      %get3A_70 = vector.shape_cast %get3A_69 : vector<16xf32> to vector<16xf32>
      %add3A_71 = arith.addf %add3A_63, %get3A_70 : vector<16xf32>
      %mul3A_72 = arith.constant 16 : i32
      %mul3A_73 = arith.muli %scan3A_27, %mul3A_72 : i32
      %add3A_74 = arith.constant 5120 : i32
      %add3A_75 = arith.addi %add3A_74, %mul3A_73 : i32
      %get3A_76 = arith.index_cast %add3A_75 : i32 to index
      %get3A_77 = tpu.vector_load %arg6[%get3A_76] {strides = array<i32>} : memref<13312xf32, #tpu.memory_space<vmem>>, vector<16xf32>,
      %get3A_78 = vector.shape_cast %get3A_77 : vector<16xf32> to vector<16xf32>
      %add3A_79 = arith.addf %add3A_71, %get3A_78 : vector<16xf32>
      %mul3A_80 = arith.constant 16 : i32
      %mul3A_81 = arith.muli %scan3A_27, %mul3A_80 : i32
      %add3A_82 = arith.constant 6144 : i32
      %add3A_83 = arith.addi %add3A_82, %mul3A_81 : i32
      %get3A_84 = arith.index_cast %add3A_83 : i32 to index
      %get3A_85 = tpu.vector_load %arg6[%get3A_84] {strides = array<i32>} : memref<13312xf32, #tpu.memory_space<vmem>>, vector<16xf32>,
      %get3A_86 = vector.shape_cast %get3A_85 : vector<16xf32> to vector<16xf32>
      %add3A_87 = arith.addf %add3A_79, %get3A_86 : vector<16xf32>
      %mul3A_88 = arith.constant 16 : i32
      %mul3A_89 = arith.muli %scan3A_27, %mul3A_88 : i32
      %add3A_90 = arith.constant 7168 : i32
      %add3A_91 = arith.addi %add3A_90, %mul3A_89 : i32
      %get3A_92 = arith.index_cast %add3A_91 : i32 to index
      %get3A_93 = tpu.vector_load %arg6[%get3A_92] {strides = array<i32>} : memref<13312xf32, #tpu.memory_space<vmem>>, vector<16xf32>,
      %get3A_94 = vector.shape_cast %get3A_93 : vector<16xf32> to vector<16xf32>
      %add3A_95 = arith.addf %add3A_87, %get3A_94 : vector<16xf32>
      %mul3A_96 = arith.constant 16 : i32
      %mul3A_97 = arith.muli %scan3A_27, %mul3A_96 : i32
      %add3A_98 = arith.constant 8192 : i32
      %add3A_99 = arith.addi %add3A_98, %mul3A_97 : i32
      %get3A_100 = arith.index_cast %add3A_99 : i32 to index
      %get3A_101 = tpu.vector_load %arg6[%get3A_100] {strides = array<i32>} : memref<13312xf32, #tpu.memory_space<vmem>>, vector<16xf32>,
      %get3A_102 = vector.shape_cast %get3A_101 : vector<16xf32> to vector<16xf32>
      %add3A_103 = arith.addf %add3A_95, %get3A_102 : vector<16xf32>
      %mul3A_104 = arith.constant 16 : i32
      %mul3A_105 = arith.muli %scan3A_27, %mul3A_104 : i32
      %add3A_106 = arith.constant 9216 : i32
      %add3A_107 = arith.addi %add3A_106, %mul3A_105 : i32
      %get3A_108 = arith.index_cast %add3A_107 : i32 to index
      %get3A_109 = tpu.vector_load %arg6[%get3A_108] {strides = array<i32>} : memref<13312xf32, #tpu.memory_space<vmem>>, vector<16xf32>,
      %get3A_110 = vector.shape_cast %get3A_109 : vector<16xf32> to vector<16xf32>
      %add3A_111 = arith.addf %add3A_103, %get3A_110 : vector<16xf32>
      %mul3A_112 = arith.constant 16 : i32
      %mul3A_113 = arith.muli %scan3A_27, %mul3A_112 : i32
      %add3A_114 = arith.constant 10240 : i32
      %add3A_115 = arith.addi %add3A_114, %mul3A_113 : i32
      %get3A_116 = arith.index_cast %add3A_115 : i32 to index
      %get3A_117 = tpu.vector_load %arg6[%get3A_116] {strides = array<i32>} : memref<13312xf32, #tpu.memory_space<vmem>>, vector<16xf32>,
      %get3A_118 = vector.shape_cast %get3A_117 : vector<16xf32> to vector<16xf32>
      %add3A_119 = arith.addf %add3A_111, %get3A_118 : vector<16xf32>
      %mul3A_120 = arith.constant 16 : i32
      %mul3A_121 = arith.muli %scan3A_27, %mul3A_120 : i32
      %add3A_122 = arith.constant 11264 : i32
      %add3A_123 = arith.addi %add3A_122, %mul3A_121 : i32
      %get3A_124 = arith.index_cast %add3A_123 : i32 to index
      %get3A_125 = tpu.vector_load %arg6[%get3A_124] {strides = array<i32>} : memref<13312xf32, #tpu.memory_space<vmem>>, vector<16xf32>,
      %get3A_126 = vector.shape_cast %get3A_125 : vector<16xf32> to vector<16xf32>
      %add3A_127 = arith.addf %add3A_119, %get3A_126 : vector<16xf32>
      %mul3A_128 = arith.constant 16 : i32
      %mul3A_129 = arith.muli %scan3A_27, %mul3A_128 : i32
      %add3A_130 = arith.constant 12288 : i32
      %add3A_131 = arith.addi %add3A_130, %mul3A_129 : i32
      %get3A_132 = arith.index_cast %add3A_131 : i32 to index
      %get3A_133 = tpu.vector_load %arg6[%get3A_132] {strides = array<i32>} : memref<13312xf32, #tpu.memory_space<vmem>>, vector<16xf32>,
      %get3A_134 = vector.shape_cast %get3A_133 : vector<16xf32> to vector<16xf32>
      %add3A_135 = arith.addf %add3A_127, %get3A_134 : vector<16xf32>
      %mul3A_136 = arith.constant 16 : i32
      %mul3A_137 = arith.muli %scan3A_27, %mul3A_136 : i32
      %add3A_138 = arith.constant 1536 : i32
      %add3A_139 = arith.addi %add3A_138, %mul3A_137 : i32
      %get3A_140 = arith.index_cast %add3A_139 : i32 to index
      %get3A_141 = tpu.vector_load %arg6[%get3A_140] {strides = array<i32>} : memref<13312xf32, #tpu.memory_space<vmem>>, vector<16xf32>,
      %get3A_142 = vector.shape_cast %get3A_141 : vector<16xf32> to vector<16xf32>
      %add3A_143 = arith.addf %get3A_39, %get3A_142 : vector<16xf32>
      %mul3A_144 = arith.constant 16 : i32
      %mul3A_145 = arith.muli %scan3A_27, %mul3A_144 : i32
      %add3A_146 = arith.constant 2560 : i32
      %add3A_147 = arith.addi %add3A_146, %mul3A_145 : i32
      %get3A_148 = arith.index_cast %add3A_147 : i32 to index
      %get3A_149 = tpu.vector_load %arg6[%get3A_148] {strides = array<i32>} : memref<13312xf32, #tpu.memory_space<vmem>>, vector<16xf32>,
      %get3A_150 = vector.shape_cast %get3A_149 : vector<16xf32> to vector<16xf32>
      %add3A_151 = arith.addf %add3A_143, %get3A_150 : vector<16xf32>
      %mul3A_152 = arith.constant 16 : i32
      %mul3A_153 = arith.muli %scan3A_27, %mul3A_152 : i32
      %add3A_154 = arith.constant 3584 : i32
      %add3A_155 = arith.addi %add3A_154, %mul3A_153 : i32
      %get3A_156 = arith.index_cast %add3A_155 : i32 to index
      %get3A_157 = tpu.vector_load %arg6[%get3A_156] {strides = array<i32>} : memref<13312xf32, #tpu.memory_space<vmem>>, vector<16xf32>,
      %get3A_158 = vector.shape_cast %get3A_157 : vector<16xf32> to vector<16xf32>
      %add3A_159 = arith.addf %add3A_151, %get3A_158 : vector<16xf32>
      %mul3A_160 = arith.constant 16 : i32
      %mul3A_161 = arith.muli %scan3A_27, %mul3A_160 : i32
      %add3A_162 = arith.constant 4608 : i32
      %add3A_163 = arith.addi %add3A_162, %mul3A_161 : i32
      %get3A_164 = arith.index_cast %add3A_163 : i32 to index
      %get3A_165 = tpu.vector_load %arg6[%get3A_164] {strides = array<i32>} : memref<13312xf32, #tpu.memory_space<vmem>>, vector<16xf32>,
      %get3A_166 = vector.shape_cast %get3A_165 : vector<16xf32> to vector<16xf32>
      %add3A_167 = arith.addf %add3A_159, %get3A_166 : vector<16xf32>
      %mul3A_168 = arith.constant 16 : i32
      %mul3A_169 = arith.muli %scan3A_27, %mul3A_168 : i32
      %add3A_170 = arith.constant 5632 : i32
      %add3A_171 = arith.addi %add3A_170, %mul3A_169 : i32
      %get3A_172 = arith.index_cast %add3A_171 : i32 to index
      %get3A_173 = tpu.vector_load %arg6[%get3A_172] {strides = array<i32>} : memref<13312xf32, #tpu.memory_space<vmem>>, vector<16xf32>,
      %get3A_174 = vector.shape_cast %get3A_173 : vector<16xf32> to vector<16xf32>
      %add3A_175 = arith.addf %add3A_167, %get3A_174 : vector<16xf32>
      %mul3A_176 = arith.constant 16 : i32
      %mul3A_177 = arith.muli %scan3A_27, %mul3A_176 : i32
      %add3A_178 = arith.constant 6656 : i32
      %add3A_179 = arith.addi %add3A_178, %mul3A_177 : i32
      %get3A_180 = arith.index_cast %add3A_179 : i32 to index
      %get3A_181 = tpu.vector_load %arg6[%get3A_180] {strides = array<i32>} : memref<13312xf32, #tpu.memory_space<vmem>>, vector<16xf32>,
      %get3A_182 = vector.shape_cast %get3A_181 : vector<16xf32> to vector<16xf32>
      %add3A_183 = arith.addf %add3A_175, %get3A_182 : vector<16xf32>
      %mul3A_184 = arith.constant 16 : i32
      %mul3A_185 = arith.muli %scan3A_27, %mul3A_184 : i32
      %add3A_186 = arith.constant 7680 : i32
      %add3A_187 = arith.addi %add3A_186, %mul3A_185 : i32
      %get3A_188 = arith.index_cast %add3A_187 : i32 to index
      %get3A_189 = tpu.vector_load %arg6[%get3A_188] {strides = array<i32>} : memref<13312xf32, #tpu.memory_space<vmem>>, vector<16xf32>,
      %get3A_190 = vector.shape_cast %get3A_189 : vector<16xf32> to vector<16xf32>
      %add3A_191 = arith.addf %add3A_183, %get3A_190 : vector<16xf32>
      %mul3A_192 = arith.constant 16 : i32
      %mul3A_193 = arith.muli %scan3A_27, %mul3A_192 : i32
      %add3A_194 = arith.constant 8704 : i32
      %add3A_195 = arith.addi %add3A_194, %mul3A_193 : i32
      %get3A_196 = arith.index_cast %add3A_195 : i32 to index
      %get3A_197 = tpu.vector_load %arg6[%get3A_196] {strides = array<i32>} : memref<13312xf32, #tpu.memory_space<vmem>>, vector<16xf32>,
      %get3A_198 = vector.shape_cast %get3A_197 : vector<16xf32> to vector<16xf32>
      %add3A_199 = arith.addf %add3A_191, %get3A_198 : vector<16xf32>
      %mul3A_200 = arith.constant 16 : i32
      %mul3A_201 = arith.muli %scan3A_27, %mul3A_200 : i32
      %add3A_202 = arith.constant 9728 : i32
      %add3A_203 = arith.addi %add3A_202, %mul3A_201 : i32
      %get3A_204 = arith.index_cast %add3A_203 : i32 to index
      %get3A_205 = tpu.vector_load %arg6[%get3A_204] {strides = array<i32>} : memref<13312xf32, #tpu.memory_space<vmem>>, vector<16xf32>,
      %get3A_206 = vector.shape_cast %get3A_205 : vector<16xf32> to vector<16xf32>
      %add3A_207 = arith.addf %add3A_199, %get3A_206 : vector<16xf32>
      %mul3A_208 = arith.constant 16 : i32
      %mul3A_209 = arith.muli %scan3A_27, %mul3A_208 : i32
      %add3A_210 = arith.constant 10752 : i32
      %add3A_211 = arith.addi %add3A_210, %mul3A_209 : i32
      %get3A_212 = arith.index_cast %add3A_211 : i32 to index
      %get3A_213 = tpu.vector_load %arg6[%get3A_212] {strides = array<i32>} : memref<13312xf32, #tpu.memory_space<vmem>>, vector<16xf32>,
      %get3A_214 = vector.shape_cast %get3A_213 : vector<16xf32> to vector<16xf32>
      %add3A_215 = arith.addf %add3A_207, %get3A_214 : vector<16xf32>
      %mul3A_216 = arith.constant 16 : i32
      %mul3A_217 = arith.muli %scan3A_27, %mul3A_216 : i32
      %add3A_218 = arith.constant 11776 : i32
      %add3A_219 = arith.addi %add3A_218, %mul3A_217 : i32
      %get3A_220 = arith.index_cast %add3A_219 : i32 to index
      %get3A_221 = tpu.vector_load %arg6[%get3A_220] {strides = array<i32>} : memref<13312xf32, #tpu.memory_space<vmem>>, vector<16xf32>,
      %get3A_222 = vector.shape_cast %get3A_221 : vector<16xf32> to vector<16xf32>
      %add3A_223 = arith.addf %add3A_215, %get3A_222 : vector<16xf32>
      %mul3A_224 = arith.constant 16 : i32
      %mul3A_225 = arith.muli %scan3A_27, %mul3A_224 : i32
      %add3A_226 = arith.constant 12800 : i32
      %add3A_227 = arith.addi %add3A_226, %mul3A_225 : i32
      %get3A_228 = arith.index_cast %add3A_227 : i32 to index
      %get3A_229 = tpu.vector_load %arg6[%get3A_228] {strides = array<i32>} : memref<13312xf32, #tpu.memory_space<vmem>>, vector<16xf32>,
      %get3A_230 = vector.shape_cast %get3A_229 : vector<16xf32> to vector<16xf32>
      %add3A_231 = arith.addf %add3A_223, %get3A_230 : vector<16xf32>
      %add3A_232 = arith.addf %add3A_135, %add3A_231 : vector<16xf32>
      %mul3A_233 = arith.constant 16 : i32
      %mul3A_234 = arith.muli %scan3A_27, %mul3A_233 : i32
      %swap3A = arith.index_cast %mul3A_234 : i32 to index
      %swap3A_235 = tpu.vector_load %arg7[%swap3A] {strides = array<i32>} : memref<512xf32, #tpu.memory_space<vmem>>, vector<16xf32>,
      %swap3A_236 = vector.shape_cast %swap3A_235 : vector<16xf32> to vector<16xf32>
      %swap3A_237 = vector.shape_cast %add3A_232 : vector<16xf32> to vector<16xf32>
      tpu.vector_store %arg7[%swap3A], %swap3A_237 {strides = array<i32>} : memref<512xf32, #tpu.memory_space<vmem>>, vector<16xf32>,
      %scan3A_238 = arith.constant 0 : i32
      scf.yield %scan3A_238 : i32
    }
    %scan3A_24 = arith.constant 32 : i32
    %mul3A_25 = arith.constant 512 : i32
    %mul3A_26 = arith.muli %add3A, %mul3A_25 : i32
    "tpu.region"() ({
      %run_scoped3A = tpu.sem_alloc : memref<!tpu.dma_semaphore, #tpu.memory_space<semaphore_mem>>
      %dma_start3A = tpu.memref_slice %arg4[%mul3A_26] : memref<16384xf32, #tpu.memory_space<hbm>> -> memref<512xf32, #tpu.memory_space<hbm>>
      %dma_start3A_27 = tpu.memref_slice %arg4[%mul3A_26] : memref<16384xf32, #tpu.memory_space<hbm>> -> memref<512xf32, #tpu.memory_space<hbm>>
      tpu.enqueue_dma source(%arg7 : memref<512xf32, #tpu.memory_space<vmem>>) target(%dma_start3A_27 : memref<512xf32, #tpu.memory_space<hbm>>) target_semaphore(%run_scoped3A : memref<!tpu.dma_semaphore, #tpu.memory_space<semaphore_mem>>)
      %dma_wait3A_28 = tpu.memref_slice %arg4[%mul3A_26] : memref<16384xf32, #tpu.memory_space<hbm>> -> memref<512xf32, #tpu.memory_space<hbm>>
      %dma_wait3A_29 = tpu.memref_slice %arg4[%mul3A_26] : memref<16384xf32, #tpu.memory_space<hbm>> -> memref<512xf32, #tpu.memory_space<hbm>>
      tpu.wait_dma2 semaphore(%run_scoped3A : memref<!tpu.dma_semaphore, #tpu.memory_space<semaphore_mem>>) src(%arg7 : memref<512xf32, #tpu.memory_space<vmem>>) dst(%dma_wait3A_29 : memref<512xf32, #tpu.memory_space<hbm>>)
      tpu.yield
    }) : () -> ()
    return
  }
}

</mosaic_0001>

<sc_bundles>
// kernel: _fm.3.cloned.1.call-start
scs
__scs_entry_jumppad:
0x0: {  	(pc) =	sbr.rel $0x88, $3  }
0x1: {  	(tag) =	ssettag $0x0;
	lr =	simm.s32 $0x1  }
0x2: {  	[smem:$0x3F9F] =	sst lr;
	_ =	strace $0xD0000000  }
0x3: {  	_ = 	snop  }
0x4: {  	_ = 	snop  }
0x5: {  	_ = 	snop  }
0x6: {  	_ = 	snop  }
0x7: {  	_ = 	snop  }
__scs_overlays_trampoline_lowered:
0x8: {  	[smem:$0x3FAE] =	sst s0  }
0x9: {  	[smem:$0x3FAF] =	sst s1  }
0xa: {  	[smem:$0x3FB0] =	sst s2  }
0xb: {  	[smem:$0x3FB1] =	sst s3  }
0xc: {  	[smem:$0x3FB2] =	sst s4  }
0xd: {  	[smem:$0x3FB3] =	sst s5  }
0xe: {  	[smem:$0x3FB4] =	sst s6  }
0xf: {  	[smem:$0x3FB5] =	sst s7  }
0x10: {  	[smem:$0x3FB6] =	sst s8  }
0x11: {  	[smem:$0x3FB7] =	sst s9;
	s0 =	simm.s32 @!p0 $0x0  }
0x12: {  	s1 =	sld [smem:$0x3F9D];
	s0 =	simm.s32 @p0 $0x1  }
0x13: {  	[smem:$0x3FB8] =	sst s0;
	s0 =	simm.s32 @!p1 $0x0  }
0x14: {  	s2 =	sld [smem:$0x3F9C];
	s0 =	simm.s32 @p1 $0x1  }
0x15: {  	[smem:$0x3FB9] =	sst s0;
	s0 =	simm.s32 @!p2 $0x0  }
0x16: {  	s3 =	sld [smem:$0x3FDB];
	s0 =	simm.s32 @p2 $0x1  }
0x17: {  	s4 =	simm.s32 $0x1BF5;
	[smem:$0x3FBB] =	sst s0  }
0x18: {  	s0 =	sld [smem:$0x3F9E];
	_ =	swait.ge [sflag:s4], $0x0  }
0x19: {  	s7 =	sld [smem:$0x3F9F]  }
0x1a: {  	s8 =	sadd.s32 $0xFFFFE003, lr  }
0x1b: {  	s9 =	sadd.s32 $0xFFFFFEF7, lr;
	s5 =	simm.s32 $0xFFFFFFFF;
	p2 =	slt.u32 s8, $0xFFFFF086  }
0x1c: {  	p1 =	slt.u32 s9, $0xF7A;
	s5 =	simm.s32 @!p2 $0x0  }
0x1d: {  	s5 =	simm.s32 @p1 $0x1;
	p0 =	seq.s32 s7, s2  }
0x1e: {  	s7 =	smul.u32 @!p0 $0xF7A, s2;
	p2 =	seq.s32 @!p0 s5, $0x0  }
0x1f: {  	s9 =	smul.u32 $0xF7A, s1;
	s8 =	simm.s32 @!p0 $0x1BF5;
	p2 =	por !p2, p0  }
0x20: {  	[sflag:s8] =	ssyncset.s32 @!p0 $0xFFFFF086;
	s6 =	sadd.s32 @!p0 s3, s7;
	s7 =	simm.s32 @!p0 $0x108  }
0x21: {  	s3 =	sadd.s32 s3, s9;
	s6 =	sadd.s32 @!p0 $0x88, s6;
	s7 =	simm.s32 @p2 $0x1082  }
0x22: {  	[simem:s7], [sflag:s8] =	dma.local @!p0 [hbm:s6], $0xF7A  }
0x23: {  	s9 =	sor.u32 $0xD0000000, s2;
	s6 =	simm.s32 $0x108;
	_ =	swait.ge @!p0 [sflag:s8], $0x0  }
0x24: {  	s3 =	sadd.s32 $0x88, s3;
	s6 =	simm.s32 @!p1 $0x1082;
	[sflag:s4] =	ssyncset.s32 $0xFFFFF086  }
0x25: {  	[simem:s6], [sflag:s4] =	dma.local [hbm:s3], $0xF7A  }
0x26: {  	[smem:$0x3F9F] =	sst s1;
	(tag) =	ssettag s2;
	_ =	strace s9  }
0x27: {  	s1 =	sld [smem:$0x3FAF]  }
0x28: {  	s2 =	sld [smem:$0x3FB0]  }
0x29: {  	s4 =	sld [smem:$0x3FB2]  }
0x2a: {  	p0 =	seq.s32 s5, $0x0;
	s5 =	sld [smem:$0x3FB3]  }
0x2b: {  	s6 =	sld [smem:$0x3FB4]  }
0x2c: {  	s7 =	sld [smem:$0x3FB5]  }
0x2d: {  	s3 =	simm.s32 $0x108;
	s8 =	sld [smem:$0x3FB6]  }
0x2e: {  	s3 =	simm.s32 @!p0 $0x1082;
	s9 =	sld [smem:$0x3FB7]  }
0x2f: {  	lr =	sadd.s32 s0, s3;
	s0 =	sld [smem:$0x3FAE]  }
0x30: {  	s3 =	sld [smem:$0x3FB1]  }
0x31: {  	[smem:$0x3FBA] =	sst s10  }
0x32: {  	s10 =	sld [smem:$0x3FB8];
	_ =	sdelay $0x3  }
0x33: {  	p0 =	seq.s32 s10, $0x1;
	s10 =	sld [smem:$0x3FBA];
	_ =	sdelay $0x3  }
0x34: {  	[smem:$0x3FBA] =	sst s10  }
0x35: {  	s10 =	sld [smem:$0x3FB9];
	_ =	sdelay $0x3  }
0x36: {  	p1 =	seq.s32 s10, $0x1;
	s10 =	sld [smem:$0x3FBA];
	_ =	sdelay $0x3  }
0x37: {  	[smem:$0x3FBA] =	sst s10  }
0x38: {  	s10 =	sld [smem:$0x3FBB]  }
0x39: {  	_ = 	snop;
	(pc) =	sbr.ind lr, $3  }
0x3a: {  	_ = 	snop  }
0x3b: {  	_ = 	snop  }
0x3c: {  	p2 =	seq.s32 s10, $0x1;
	s10 =	sld [smem:$0x3FBA]  }
0x3d: {  	_ =	shalt  }
0x3e: {  	_ =	shalt  }
0x3f: {  	_ =	shalt  }
0x40: {  	_ =	shalt  }
0x41: {  	_ =	shalt  }
0x42: {  	_ =	shalt  }
0x43: {  	_ =	shalt  }
0x44: {  	_ =	shalt  }
0x45: {  	_ =	shalt  }
0x46: {  	_ =	shalt  }
0x47: {  	_ =	shalt  }
0x48: {  	_ =	shalt  }
0x49: {  	_ =	shalt  }
0x4a: {  	_ =	shalt  }
0x4b: {  	_ =	shalt  }
0x4c: {  	_ =	shalt  }
0x4d: {  	_ =	shalt  }
0x4e: {  	_ =	shalt  }
0x4f: {  	_ =	shalt  }
0x50: {  	_ =	shalt  }
0x51: {  	_ =	shalt  }
0x52: {  	_ =	shalt  }
0x53: {  	_ =	shalt  }
0x54: {  	_ =	shalt  }
0x55: {  	_ =	shalt  }
0x56: {  	_ =	shalt  }
0x57: {  	_ =	shalt  }
0x58: {  	_ =	shalt  }
0x59: {  	_ =	shalt  }
0x5a: {  	_ =	shalt  }
0x5b: {  	_ =	shalt  }
0x5c: {  	_ =	shalt  }
0x5d: {  	_ =	shalt  }
0x5e: {  	_ =	shalt  }
0x5f: {  	_ =	shalt  }
0x60: {  	_ =	shalt  }
0x61: {  	_ =	shalt  }
0x62: {  	_ =	shalt  }
0x63: {  	_ =	shalt  }
0x64: {  	_ =	shalt  }
0x65: {  	_ =	shalt  }
0x66: {  	_ =	shalt  }
0x67: {  	_ =	shalt  }
0x68: {  	_ =	shalt  }
0x69: {  	_ =	shalt  }
0x6a: {  	_ =	shalt  }
0x6b: {  	_ =	shalt  }
0x6c: {  	_ =	shalt  }
0x6d: {  	_ =	shalt  }
0x6e: {  	_ =	shalt  }
0x6f: {  	_ =	shalt  }
0x70: {  	_ =	shalt  }
0x71: {  	_ =	shalt  }
0x72: {  	_ =	shalt  }
0x73: {  	_ =	shalt  }
0x74: {  	_ =	shalt  }
0x75: {  	_ =	shalt  }
0x76: {  	_ =	shalt  }
0x77: {  	_ =	shalt  }
0x78: {  	_ =	shalt  }
0x79: {  	_ =	shalt  }
0x7a: {  	_ =	shalt  }
0x7b: {  	_ =	shalt  }
0x7c: {  	_ =	shalt  }
0x7d: {  	_ =	shalt  }
0x7e: {  	_ =	shalt  }
0x7f: {  	_ =	shalt  }
0x80: {  	_ =	shalt  }
0x81: {  	_ =	shalt  }
0x82: {  	_ =	shalt  }
0x83: {  	_ =	shalt  }
0x84: {  	_ =	shalt  }
0x85: {  	_ =	shalt  }
0x86: {  	_ =	shalt  }
0x87: {  	_ =	shalt  }
.Lfunc_end0:
.L_simem_size_0:
called_computation_lowered:
.L_overlay_start_0:
0x88: {  	s2 =	sld [smem:$0x3FD9]  }
0x89: {  	s3 =	sld [smem:$0x3FFE];
	_ =	sdelay $0x1  }
0x8a: {  	s1 =	srdreg.scid  }
0x8b: {  	s0 =	sand.u32 $0x1, s1  }
0x8c: {  	s18 =	sshll.u32 s0, $0xA;
	s2 =	sadd.s32 s3, s2  }
0x8d: {  	s2 =	sadd.s32 s2, s18  }
0x8e: {  	[smem:$0x3FC6] =	sst s2  }
0x8f: {  	_ = 	snop  }
0x90: {  	s2 =	sld [smem:$0x3FC9]  }
0x91: {  	s19 =	sld [smem:$0x3FC8]  }
0x92: {  	s4 =	sld [smem:$0x3FD0];
	(tm) =	ssettm $0x1  }
0x93: {  	s5 =	sld [smem:$0x3FFB];
	_ =	sdelay $0x3  }
0x94: {  	_ =	strace s5  }
0x95: {  	s5 =	sld [smem:$0x3FFC];
	_ =	sdelay $0x3  }
0x96: {  	_ =	strace s5  }
0x97: {  	s5 =	sld [smem:$0x3FFD];
	_ =	sdelay $0x3  }
0x98: {  	_ =	strace s5  }
0x99: {  	_ =	strace $0x8FFFFFFF  }
0x9a: {  	s20 =	sld [smem:$0x3FDB];
	_ =	sdelay $0x1  }
0x9b: {  	s6 =	simm.s32 $_scs_section_size  }
0x9c: {  	s7 =	simm.s32 $_size__tile_overlayer_lowered;
	s8 =	simm.s32 $_tile_overlayer_lowered  }
0x9d: {  	s23 =	simm.s32 $0x1BFF;
	s22 =	sshll.u32 s8, $0x1;
	s5 =	sadd.s32 s6, s20  }
0x9e: {  	s9 =	simm.s32 $0x0;
	s21 =	sshll.u32 s7, $0x1;
	s7 =	sadd.s32 s22, s5  }
0x9f: {  	[timem:s9], [sflag:s23] =	dma.local [hbm:s7], s21  }
0xa0: {  	_ =	swait.ge [sflag:s23], s21  }
0xa1: {  	s6 =	ssub.s32 $0x0, s21;
	[sflag:s23] =	ssyncset.done $0x0  }
0xa2: {  	[sflag:s23] =	ssyncadd.s32 s6;
	_ =	sdelay $0x1  }
0xa3: {  	s24 =	simm.s32 $0x1B8B  }
0xa4: {  	_ =	swait.ge [sflag:s24], $0x1  }
0xa5: {  	[sflag:s24] =	ssyncset.done $0x0  }
0xa6: {  	s25 =	simm.s32 $0x1B8E;
	[sflag:s24] =	ssyncadd.s32 $0xFFFFFFFF  }
0xa7: {  	s26 =	simm.s32 $execute0_lowered;
	[smem:$0x3FD2] =	sst s25  }
0xa8: {  	s6 =	sshll.u32 s26, $0x1;
	_ =	strace $0x80000046;
	[dreg:$0x1] =	wrdreg $0xFFFFFFFF  }
0xa9: {  	s28 =	simm.s32 $_size_execute0_lowered;
	s5 =	sadd.s32 s5, s6;
	[dreg:$0x0] =	wrdreg $0x0  }
0xaa: {  	s6 =	sshll.u32 s28, $0x1;
	[dreg:$0x2] =	wrdreg s5  }
0xab: {  	[dreg:$0x3] =	wrdreg s6  }
0xac: {  	[dreg:$0x4] =	wrdreg $0xC0  }
0xad: {  	_ =	task [dreg:s9], $0x5FFFF  }
0xae: {  	[dreg:$0x1] =	wrdreg $0xFFFFFFFF  }
0xaf: {  	[dreg:$0x0] =	wrdreg $0x60  }
0xb0: {  	[dreg:$0x2] =	wrdreg s2  }
0xb1: {  	[dreg:$0x3] =	wrdreg s19  }
0xb2: {  	[dreg:$0x4] =	wrdreg s4  }
0xb3: {  	[dreg:$0x5] =	wrdreg $0x9  }
0xb4: {  	_ =	task.clear_ibuf [dreg:s9], $0x6FFFF;
	_ =	strace $0x90000046  }
0xb5: {  	s29 =	simm.s32 $0x9;
	_ =	strace $0x80000048  }
0xb6: {  	_ =	swait.ge [sflag:s29], $0x1  }
0xb7: {  	[sflag:s29] =	ssyncadd.s32 $0xFFFFFFFF  }
0xb8: {  	_ =	strace $0x90000048  }
0xb9: {  	_ =	sfence  }
0xba: {  	s30 =	sld [smem:$0x0];
	_ =	sdelay $0x2  }
0xbb: {  	s31 =	sshll.u32 s1, $0xD;
	s1 =	sshrl.u32 s1, $0x2  }
0xbc: {  	s3 =	sand.u32 $0x4000, s31;
	s1 =	sadd.s32 s1, s30  }
0xbd: {  	s0 =	sor.u32 s3, s0;
	s1 =	sshll.u32 s1, $0x11  }
0xbe: {  	s0 =	sor.u32 s1, s0  }
0xbf: {  	s0 =	sadd.s32 $0x8F2B, s0  }
0xc0: {  	[sflag:s0] =	ssyncadd.remote.s32 $0x1  }
0xc1: {  	_ =	sfence.sel $0xFFFF  }
0xc2: {  	[dreg:$0x0] =	wrdreg $0xFFFFFFFF;
	(pc) =	sbr.abs _section_cstart, $3  }
0xc3: {  	[dreg:$0x1] =	wrdreg $0xFFFFFFFF  }
0xc4: {  	_ =	task.clear_ibuf [dreg:s9], $0x2FFFF;
	_ =	strace $0x9FFFFFFF  }
0xc5: {  	(tm) =	ssettm $0x7FFFFFFF  }
tec
execute0_lowered:
.L_overlay_start_1:
0x0: {  	(tag) =	ssettag $0x1  }
0x1: {  	s4 =	rddreg [dreg:$0x0]  }
0x2: {  	s1 =	srdreg.scid;
	s2 =	rddreg [dreg:$0x1]  }
0x3: {  	s0 =	stileid.u32;
	s7 =	rddreg [dreg:$0x2]  }
0x4: {  	s3 =	simm.s32 $0x0;
	s10 =	simm.s32 $0x200;
	s11 =	simm.s32 $0x1  }
0x5: {  	s12 =	simm.s32 $0x6800;
	s13 =	simm.s32 $0x0;
	s5 =	sand.u32 $0x1, s1  }
0x6: {  	s28 =	sshll.u32 s0, $0x1;
	s29 =	sshrl.u32 s0, $0x2;
	s1 =	rddreg [dreg:$0x3]  }
0x7: {  	[smem:$0x7FF] =	sst s3;
	s6 =	sor.u32 s5, s28;
	s8 =	smul.u32 $0x1A000, s29  }
0x8: {  	s5 =	ssub.s32 $0x2, s5;
	_ =	strace $0x80000047;
	s9 =	sshll.u32 s6, $0x7  }
0x9: {  	s30 =	sshrl.u32 s5, $0x1;
	s31 =	sshll.u32 s6, $0x6;
	s9 =	sand.u32 $0x380, s9  }
0xa: {  	s8 =	sor.u32 s8, s9;
	s9 =	ssub.s32 s5, s30;
	s5 =	sadd.s32 s7, s31  }
0xb: {  	s7 =	simm.s32 $0x80;
	s8 =	sshrl.u32 s8, $0x3;
	s6 =	smax.u32 s9, $0x1  }
0xc: {  	s9 =	simm.s32 $0x2;
	s4 =	sadd.s32 s4, s8;
	s8 =	simm.s32 $0x400  }
.LBB2_1:
0xd: {  	[tilespmem:s3], [sflag:$0x2] =	stream.strided.gather [hbm4b:s4+s7], $0x3400, s8, s7, $0x38;
	[tilespmem:$0x6A00] =	vst v63  }
0xe: {  	_ =	swait.ge [sflag:s9], $0x3400  }
0xf: {  	[sflag:s9] =	ssyncset.done $0x0  }
0x10: {  	s14 =	simm.s32 $0x0;
	s15 =	simm.s32 $0x3400;
	[sflag:s9] =	ssyncadd.s32 $0xFFFFCC00  }
0x11: {  	[tilespmem:s15], [sflag:$0x1] =	stream.indirect.gather [hbm4b:s2+s10], $0x1, s14, s10, $0xb8;
	[tilespmem:$0x6A00] =	vst v63  }
0x12: {  	s14 =	simm.s32 $0x800;
	s15 =	smov.u32 s2  }
.LBB2_2:
0x13: {  	p0 =	sne.s32 s14, $0xC800  }
.Ltmp0:
0x14: {  	_ = 	snop;
	(pc) =	sbr.rel @p0 .LBB2_2-.Ltmp0, $4  }
0x15: {  	_ = 	snop  }
0x16: {  	s16 =	sshra.s32 s14, $0x2;
	s14 =	sadd.s32 $0x800, s14  }
0x17: {  	s15 =	sadd.s32 $0x30D4, s15;
	s17 =	sadd.s32 $0x3400, s16  }
0x18: {  	[tilespmem:s17], [sflag:$0x1] =	stream.indirect.gather [hbm4b:s15+s10], $0x1, s16, s10, $0xb8;
	[tilespmem:$0x6A00] =	vst v63  }
0x19: {  	_ =	swait.ge [sflag:s11], $0x3400  }
0x1a: {  	s14 =	simm.s32 $0x0;
	[sflag:s11] =	ssyncset.done $0x0  }
0x1b: {  	s14 =	sand.u32 $0x1F0, s14;
	[sflag:s11] =	ssyncadd.s32 $0xFFFFCC00  }
0x1c: {  	s15 =	simm.s32 $0x3400;
	v0 =	vld [tilespmem:s14+$0x3800]  }
0x1d: {  	v1 =	vld [tilespmem:s15+$0x0]  }
0x1e: {  	v2 =	vld [tilespmem:s14+$0x3600]  }
0x1f: {  	v3 =	vld [tilespmem:s14+$0x3A00]  }
0x20: {  	v4 =	vld [tilespmem:s14+$0x3C00]  }
0x21: {  	v5 =	vld [tilespmem:s14+$0x3E00]  }
0x22: {  	v6 =	vld [tilespmem:s14+$0x4000]  }
0x23: {  	v7 =	vld [tilespmem:s14+$0x4200]  }
0x24: {  	v0 =	vadd.f32 v0, v1;
	v1 =	vld [tilespmem:s14+$0x4400];
	v2 =	vadd.f32 v3, v2  }
0x25: {  	v3 =	vld [tilespmem:s14+$0x4600]  }
0x26: {  	v52 =	vld [tilespmem:s14+$0x4800];
	v0 =	vadd.f32 v4, v0;
	v2 =	vadd.f32 v5, v2  }
0x27: {  	v53 =	vld [tilespmem:s14+$0x4A00]  }
0x28: {  	v54 =	vld [tilespmem:s14+$0x4C00];
	v0 =	vadd.f32 v6, v0;
	v2 =	vadd.f32 v7, v2  }
0x29: {  	v55 =	vld [tilespmem:s14+$0x4E00]  }
0x2a: {  	v0 =	vadd.f32 v1, v0;
	v1 =	vld [tilespmem:s14+$0x5000];
	v2 =	vadd.f32 v3, v2  }
0x2b: {  	v3 =	vld [tilespmem:s14+$0x5200]  }
0x2c: {  	v56 =	vld [tilespmem:s14+$0x5400];
	v0 =	vadd.f32 v52, v0;
	v2 =	vadd.f32 v53, v2  }
0x2d: {  	v57 =	vld [tilespmem:s14+$0x5600]  }
0x2e: {  	v58 =	vld [tilespmem:s14+$0x5800];
	v0 =	vadd.f32 v54, v0;
	v2 =	vadd.f32 v55, v2  }
0x2f: {  	v59 =	vld [tilespmem:s14+$0x5A00]  }
0x30: {  	v0 =	vadd.f32 v1, v0;
	v1 =	vld [tilespmem:s14+$0x5C00];
	v2 =	vadd.f32 v3, v2  }
0x31: {  	v3 =	vld [tilespmem:s14+$0x5E00]  }
0x32: {  	v60 =	vld [tilespmem:s14+$0x6000];
	v0 =	vadd.f32 v56, v0;
	v2 =	vadd.f32 v57, v2  }
0x33: {  	v61 =	vld [tilespmem:s14+$0x6200]  }
0x34: {  	v62 =	vld [tilespmem:s14+$0x6400];
	v0 =	vadd.f32 v58, v0;
	v2 =	vadd.f32 v59, v2  }
0x35: {  	v63 =	vld [tilespmem:s14+$0x6600]  }
0x36: {  	v0 =	vadd.f32 v1, v0;
	v1 =	vadd.f32 v3, v2;
	_ =	sdelay $0x1  }
0x37: {  	v0 =	vadd.f32 v60, v0;
	v1 =	vadd.f32 v61, v1;
	_ =	sdelay $0x1  }
0x38: {  	v0 =	vadd.f32 v62, v0;
	v1 =	vadd.f32 v63, v1;
	_ =	sdelay $0x1  }
0x39: {  	v0 =	vadd.f32 v1, v0  }
0x3a: {  	s31 =	simm.s32 $0x10;
	s14 =	simm.s32 $0x6800  }
0x3b: {  	s15 =	sand.u32 $0x1F0, s31;
	[tilespmem:s14+$0x0] =	vst v0  }
0x3c: {  	s16 =	simm.s32 $0x3410;
	v0 =	vld [tilespmem:s15+$0x3800]  }
0x3d: {  	v2 =	vld [tilespmem:s16+$0x0]  }
0x3e: {  	s17 =	simm.s32 $0x20;
	v1 =	vld [tilespmem:s15+$0x3600]  }
.LBB2_4:
0x3f: {  	p0 =	sne.s32 s17, $0x1F0;
	v3 =	vld [tilespmem:s15+$0x3A00]  }
0x40: {  	v4 =	vld [tilespmem:s15+$0x3C00]  }
0x41: {  	v5 =	vld [tilespmem:s15+$0x3E00]  }
0x42: {  	v6 =	vld [tilespmem:s15+$0x4000]  }
0x43: {  	v7 =	vld [tilespmem:s15+$0x4200]  }
0x44: {  	v0 =	vadd.f32 v0, v2;
	v2 =	vld [tilespmem:s15+$0x4400];
	v1 =	vadd.f32 v3, v1  }
0x45: {  	v3 =	vld [tilespmem:s15+$0x4600]  }
0x46: {  	v0 =	vadd.f32 v4, v0;
	v4 =	vld [tilespmem:s15+$0x4800];
	v1 =	vadd.f32 v5, v1  }
0x47: {  	v5 =	vld [tilespmem:s15+$0x4A00]  }
0x48: {  	v0 =	vadd.f32 v6, v0;
	v6 =	vld [tilespmem:s15+$0x4C00];
	v1 =	vadd.f32 v7, v1  }
0x49: {  	v7 =	vld [tilespmem:s15+$0x4E00]  }
0x4a: {  	v0 =	vadd.f32 v2, v0;
	v2 =	vld [tilespmem:s15+$0x5000];
	v1 =	vadd.f32 v3, v1  }
0x4b: {  	v3 =	vld [tilespmem:s15+$0x5200]  }
0x4c: {  	v0 =	vadd.f32 v4, v0;
	v4 =	vld [tilespmem:s15+$0x5400];
	v1 =	vadd.f32 v5, v1  }
0x4d: {  	v5 =	vld [tilespmem:s15+$0x5600]  }
0x4e: {  	v0 =	vadd.f32 v6, v0;
	v6 =	vld [tilespmem:s15+$0x5800];
	v1 =	vadd.f32 v7, v1  }
0x4f: {  	v7 =	vld [tilespmem:s15+$0x5A00]  }
0x50: {  	v0 =	vadd.f32 v2, v0;
	v2 =	vld [tilespmem:s15+$0x5C00];
	v1 =	vadd.f32 v3, v1  }
0x51: {  	v3 =	vld [tilespmem:s15+$0x5E00]  }
0x52: {  	v0 =	vadd.f32 v4, v0;
	v4 =	vld [tilespmem:s15+$0x6000];
	v1 =	vadd.f32 v5, v1  }
0x53: {  	v5 =	vld [tilespmem:s15+$0x6200]  }
0x54: {  	v0 =	vadd.f32 v6, v0;
	v6 =	vld [tilespmem:s15+$0x6400];
	v1 =	vadd.f32 v7, v1  }
0x55: {  	v7 =	vld [tilespmem:s15+$0x6600]  }
0x56: {  	v0 =	vadd.f32 v2, v0;
	v1 =	vadd.f32 v3, v1;
	_ =	sdelay $0x1  }
0x57: {  	v0 =	vadd.f32 v4, v0;
	v1 =	vadd.f32 v5, v1;
	_ =	sdelay $0x1  }
0x58: {  	v0 =	vadd.f32 v6, v0;
	v1 =	vadd.f32 v7, v1;
	_ =	sdelay $0x1  }
0x59: {  	v0 =	vadd.f32 v1, v0  }
.Ltmp1:
0x5a: {  	s14 =	sadd.s32 $0x10, s14;
	(pc) =	sbr.rel @p0 .LBB2_4-.Ltmp1, $4  }
0x5b: {  	s15 =	sand.u32 $0x1F0, s17;
	[tilespmem:s14+$0x0] =	vst v0  }
0x5c: {  	s16 =	sadd.s32 $0x10, s16;
	v0 =	vld [tilespmem:s15+$0x3800]  }
0x5d: {  	v2 =	vld [tilespmem:s16+$0x0]  }
0x5e: {  	s17 =	sadd.s32 $0x10, s17;
	v1 =	vld [tilespmem:s15+$0x3600]  }
0x5f: {  	v3 =	vld [tilespmem:s15+$0x3A00]  }
0x60: {  	v4 =	vld [tilespmem:s15+$0x3C00]  }
0x61: {  	v5 =	vld [tilespmem:s15+$0x3E00]  }
0x62: {  	v6 =	vld [tilespmem:s15+$0x4000]  }
0x63: {  	v7 =	vld [tilespmem:s15+$0x4200]  }
0x64: {  	v46 =	vld [tilespmem:s15+$0x4400];
	v0 =	vadd.f32 v0, v2;
	v1 =	vadd.f32 v3, v1  }
0x65: {  	v47 =	vld [tilespmem:s15+$0x4600]  }
0x66: {  	v48 =	vld [tilespmem:s15+$0x4800];
	v0 =	vadd.f32 v4, v0;
	v1 =	vadd.f32 v5, v1  }
0x67: {  	v49 =	vld [tilespmem:s15+$0x4A00]  }
0x68: {  	v50 =	vld [tilespmem:s15+$0x4C00];
	v0 =	vadd.f32 v6, v0;
	v1 =	vadd.f32 v7, v1  }
0x69: {  	v51 =	vld [tilespmem:s15+$0x4E00]  }
0x6a: {  	v52 =	vld [tilespmem:s15+$0x5000];
	v0 =	vadd.f32 v46, v0;
	v1 =	vadd.f32 v47, v1  }
0x6b: {  	v53 =	vld [tilespmem:s15+$0x5200]  }
0x6c: {  	v54 =	vld [tilespmem:s15+$0x5400];
	v0 =	vadd.f32 v48, v0;
	v1 =	vadd.f32 v49, v1  }
0x6d: {  	v55 =	vld [tilespmem:s15+$0x5600]  }
0x6e: {  	v56 =	vld [tilespmem:s15+$0x5800];
	v0 =	vadd.f32 v50, v0;
	v1 =	vadd.f32 v51, v1  }
0x6f: {  	v57 =	vld [tilespmem:s15+$0x5A00]  }
0x70: {  	v58 =	vld [tilespmem:s15+$0x5C00];
	v0 =	vadd.f32 v52, v0;
	v1 =	vadd.f32 v53, v1  }
0x71: {  	v59 =	vld [tilespmem:s15+$0x5E00]  }
0x72: {  	v60 =	vld [tilespmem:s15+$0x6000];
	v0 =	vadd.f32 v54, v0;
	v1 =	vadd.f32 v55, v1  }
0x73: {  	v61 =	vld [tilespmem:s15+$0x6200]  }
0x74: {  	v62 =	vld [tilespmem:s15+$0x6400];
	v0 =	vadd.f32 v56, v0;
	v1 =	vadd.f32 v57, v1  }
0x75: {  	v63 =	vld [tilespmem:s15+$0x6600]  }
0x76: {  	v0 =	vadd.f32 v58, v0;
	v1 =	vadd.f32 v59, v1;
	_ =	sdelay $0x1  }
0x77: {  	v0 =	vadd.f32 v60, v0;
	v1 =	vadd.f32 v61, v1;
	_ =	sdelay $0x1  }
0x78: {  	v0 =	vadd.f32 v62, v0;
	v1 =	vadd.f32 v63, v1;
	_ =	sdelay $0x1  }
0x79: {  	s13 =	sadd.s32 $0x1, s13;
	v0 =	vadd.f32 v1, v0  }
0x7a: {  	s14 =	sadd.s32 $0x10, s14;
	p0 =	sne.s32 s13, s6  }
.Ltmp2:
0x7b: {  	[tilespmem:s14+$0x0] =	vst v0;
	(pc) =	sbr.rel @p0 .LBB2_1-.Ltmp2, $4  }
0x7c: {  	[hbm4b:s5+s3] =	stream.linear.scatter [tilespmem:s12], [sflag:$0x2], $0x200, $0x38;
	[tilespmem:$0x6A00] =	vst v63  }
0x7d: {  	_ =	swait.ge [sflag:s9], $0x200  }
0x7e: {  	[sflag:s9] =	ssyncset.done $0x0  }
0x7f: {  	[sflag:s9] =	ssyncadd.s32 $0xFFFFFE00  }
0x80: {  	_ =	sfence.sel $0x180000  }
0x81: {  	[bflag:$0x0] =	sbarrier.arrive $0xFFFF  }
0x82: {  	p0 =	sne.s32 s0, $0x0;
	_ =	strace $0x90000047  }
0x83: {  	s0 =	sadd.s32 @!p0 $0x100000, s1;
	[bflag:$0x2] =	sbarrier.arrive $0xFFFF  }
0x84: {  	[sflag:s0] =	ssyncadd.tile.s32 @!p0 $0x1;
	_ =	shalt  }
.Lfunc_end2:
_tile_overlayer_lowered:
.L_overlay_start_2:
0x85: {  	(tag) =	ssettag $0x2  }
0x86: {  	s0 =	rddreg [dreg:$0x0];
	s2 =	stileid.u32  }
0x87: {  	s1 =	rddreg [dreg:$0x1];
	p0 =	sne.s32 s2, $0x0  }
0x88: {  	s3 =	rddreg [dreg:$0x2];
	[bflag:$0x3] =	sbarrier.arrive $0xFFFF;
	s2 =	simm.s32 @!p0 $0x1C02  }
0x89: {  	[timem:s3], [sflag:s2] =	dma.local @!p0 [hbm:s0], s1  }
0x8a: {  	s0 =	simm.s32 @!p0 $0x2  }
0x8b: {  	_ =	swait.ge @!p0 [sflag:s0], s1  }
0x8c: {  	s1 =	ssub.s32 @!p0 $0x0, s1;
	[sflag:s0] =	ssyncset.done @!p0 $0x0  }
0x8d: {  	[sflag:s0] =	ssyncadd.s32 @!p0 s1  }
0x8e: {  	[bflag:$0x3] =	sbarrier.arrive $0xFFFF  }
0x8f: {  	_ =	shalt  }

</sc_bundles>
